<compile_context>
chip_gen: v7x
topology: tpu7x:2x2x1
jax: 0.10.2.dev20260603
libtpu: 0.0.44.dev20260713+nightly
codegen_flags: <defaults>
</compile_context>

<pallas_src>
import jax
import jax.numpy as jnp
import numpy as np
from jax.experimental import pallas as pl

_LEVEL_HW = [(16, 16), (32, 32), (64, 64), (128, 128)]
_LEVEL_FILTER = [0.25, 0.5, 1.0, 1.0]
_LAYER_FILTER = [1.0, 0.8, 0.6, 0.6, 0.4, 0.2]
_LEVEL_BLK = [256, 1024, 2048, 2048]


def _score_body(f_ref, u_ref, w_ref, o_ref):
    fm = f_ref[0]
    mod = fm + fm * u_ref[0].reshape(-1, 1)
    o_ref[...] = jnp.dot(mod, w_ref[...],
                         preferred_element_type=jnp.float32)[:, 0][None, None]


def _level_score(fml, upa, W_cls, blk):
    B, n, D = fml.shape
    nblk = n // blk
    up3 = upa.reshape(B * nblk, 1, blk)
    out = pl.pallas_call(
        _score_body,
        grid=(B, nblk),
        in_specs=[pl.BlockSpec((1, blk, D), lambda b, i: (b, i, 0)),
                  pl.BlockSpec((1, 1, blk), lambda b, i: (b * nblk + i, 0, 0)),
                  pl.BlockSpec((D, 1), lambda b, i: (0, 0))],
        out_specs=pl.BlockSpec((1, 1, blk), lambda b, i: (b * nblk + i, 0, 0)),
        out_shape=jax.ShapeDtypeStruct((B * nblk, 1, blk), jnp.float32),
    )(fml, up3, W_cls)
    return out.reshape(B, n)


def kernel(features, W_cls, b_cls, alpha):
    B, N, D = features.shape
    splits = [int(s) for s in np.cumsum([h * w for h, w in _LEVEL_HW])[:-1]]
    feat_levels = jnp.split(features, splits, axis=1)

    prev_score = None
    sel_scores, sel_xy, sel_lvl = [], [], []
    for li, (h, w) in enumerate(_LEVEL_HW):
        n = h * w
        if li == 0:
            upa = jnp.zeros((B, n), dtype=jnp.float32)
        else:
            ph, pw = _LEVEL_HW[li - 1]
            up = prev_score.reshape(B, ph, pw)
            up = jnp.repeat(jnp.repeat(up, 2, axis=1), 2, axis=2) * alpha[li - 1]
            upa = up.reshape(B, n)
        score = _level_score(feat_levels[li], upa, W_cls, _LEVEL_BLK[li]) + b_cls[0]
        prev_score = score
        k = int(n * _LEVEL_FILTER[li])
        topv, topi = jax.lax.top_k(score, k)
        ii = topi // w
        jj = topi % w
        x = (jj.astype(jnp.float32) + 0.5) / w
        y = (ii.astype(jnp.float32) + 0.5) / h
        sel_scores.append(topv)
        sel_xy.append(jnp.stack([x, y], axis=-1))
        sel_lvl.append(jnp.full((B, k), li, dtype=jnp.int32))
    all_scores = jnp.concatenate(sel_scores, axis=1)
    all_xy = jnp.concatenate(sel_xy, axis=1)
    all_lvl = jnp.concatenate(sel_lvl, axis=1)
    order = jnp.argsort(-all_scores, axis=1)
    sorted_scores = jnp.take_along_axis(all_scores, order, axis=1)
    K = all_scores.shape[1]
    per_layer_idx = tuple(order[:, : int(K * r)] for r in _LAYER_FILTER)
    return (sorted_scores, all_xy, all_lvl) + per_layer_idx

# --- scband reference (transcript-rebuilt; emitter-appended) ---
"""Pipeline reference for scband-emtransformer-7533372637378 (READ-ONLY COPY).

The authoritative reference and input builder live on the scoring server;
editing this copy changes nothing except your own understanding.
"""

import jax, jax.numpy as jnp
import numpy as np

LEVEL_HW = [(16, 16), (32, 32), (64, 64), (128, 128)]  # sorted ascending spatial size, as in module
D_MODEL = 256
B = 4
LEVEL_FILTER = [0.25, 0.5, 1.0, 1.0]
LAYER_FILTER = [1.0, 0.8, 0.6, 0.6, 0.4, 0.2]


def setup_inputs(seed: int = 0) -> dict:
    key = jax.random.key(seed)
    ks = jax.random.split(key, 4)
    n_total = sum(h * w for h, w in LEVEL_HW)
    features = jax.random.normal(ks[0], (B, n_total, D_MODEL), dtype=jnp.float32)
    W_cls = jax.random.normal(ks[1], (D_MODEL, 1), dtype=jnp.float32) * 0.02
    b_cls = jnp.zeros((1,), dtype=jnp.float32)
    alpha = jax.random.uniform(ks[2], (3,), minval=-0.3, maxval=0.3, dtype=jnp.float32)
    return {"features": features, "W_cls": W_cls, "b_cls": b_cls, "alpha": alpha}


def reference(features, W_cls, b_cls, alpha):
    # Dense analog of EMTransformer.level_wise_salience_filtering:
    # per-level salience scoring (classification head), coarse-to-fine score
    # upsampling modulated by alpha, per-level top-k token selection with
    # level_filter_ratio, normalized xy position computation, then a global
    # descending sort and per-encoder-layer subset indices via layer_filter_ratio.
    splits = [int(s) for s in np.cumsum([h * w for h, w in LEVEL_HW])[:-1]]
    level_feats = jnp.split(features, splits, axis=1)
    prev_score = None
    sel_scores = []
    sel_xy = []
    sel_lvl = []
    for li, (h, w) in enumerate(LEVEL_HW):
        fm = level_feats[li]  # [B, h*w, d]
        if li > 0:
            ph, pw = LEVEL_HW[li - 1]
            up = prev_score.reshape(B, ph, pw)
            up = jnp.repeat(jnp.repeat(up, 2, axis=1), 2, axis=2) * alpha[li - 1]
            up = up.reshape(B, h * w)
            # sparse_add(feature_map, spconv_sparse_mult(feature_map, upsampled_score))
            fm = fm + fm * up[..., None]
        score = (fm @ W_cls + b_cls)[..., 0]  # [B, h*w] mask-predictor scores
        prev_score = score
        k = int(h * w * LEVEL_FILTER[li])
        topv, topi = jax.lax.top_k(score, k)  # per-batch level-wise top-k
        ii = topi // w
        jj = topi % w
        x = (jj.astype(jnp.float32) + 0.5) / w
        y = (ii.astype(jnp.float32) + 0.5) / h
        xy = jnp.stack([x, y], axis=-1)  # normalized (x, y) positions
        sel_scores.append(topv)
        sel_xy.append(xy)
        sel_lvl.append(jnp.full((B, k), li, dtype=jnp.int32))
    all_scores = jnp.concatenate(sel_scores, axis=1)  # [B, K]
    all_xy = jnp.concatenate(sel_xy, axis=1)          # [B, K, 2]
    all_lvl = jnp.concatenate(sel_lvl, axis=1)        # [B, K]
    order = jnp.argsort(-all_scores, axis=1)
    sorted_scores = jnp.take_along_axis(all_scores, order, axis=1)
    K = all_scores.shape[1]
    per_layer_idx = tuple(order[:, : int(K * r)] for r in LAYER_FILTER)
    return (sorted_scores, all_xy, all_lvl) + per_layer_idx

if __name__ == "__main__":
    import jax
    _d = setup_inputs()
    print(jax.jit(kernel)(*tuple(_d.values())))

</pallas_src>

<mosaic_0001>
module attributes {stable_mosaic.version = 14 : i64} {
  func.func @_score_body(%arg0: i32, %arg1: i32, %arg2: memref<1x256x256xf32, #tpu.memory_space<vmem>>, %arg3: memref<1x1x256xf32, #tpu.memory_space<vmem>>, %arg4: memref<256x1xf32, #tpu.memory_space<vmem>>, %arg5: memref<1x1x256xf32, #tpu.memory_space<vmem>>) attributes {dimension_semantics = [#tpu.dimension_semantics<arbitrary>, #tpu.dimension_semantics<arbitrary>], iteration_bounds = array<i64: 4, 1>, scalar_prefetch = 0 : i64, scratch_operands = 0 : i64, tpu.core_type = #tpu.core_type<tc>, window_params = [{transform_indices = @transform_0, window_bounds = array<i64: 1, 256, 256>}, {transform_indices = @transform_1, window_bounds = array<i64: 1, 1, 256>}, {pipeline_mode = #tpu.pipeline_mode<synchronous>, transform_indices = @transform_2, window_bounds = array<i64: 256, 1>}, {transform_indices = @transform_3, window_bounds = array<i64: 1, 1, 256>}]} {
    %get3A = arith.constant 0 : index
    %get3A_0 = arith.constant 0 : index
    %get3A_1 = arith.constant 0 : index
    %get3A_2 = vector.load %arg2[%get3A, %get3A_0, %get3A_1] : memref<1x256x256xf32, #tpu.memory_space<vmem>>, vector<1x256x256xf32>
    %get3A_3 = vector.shape_cast %get3A_2 : vector<1x256x256xf32> to vector<256x256xf32>
    %get3A_4 = arith.constant 0 : index
    %get3A_5 = arith.constant 0 : index
    %get3A_6 = arith.constant 0 : index
    %get3A_7 = vector.load %arg3[%get3A_4, %get3A_5, %get3A_6] : memref<1x1x256xf32, #tpu.memory_space<vmem>>, vector<1x1x256xf32>
    %get3A_8 = vector.shape_cast %get3A_7 : vector<1x1x256xf32> to vector<1x256xf32>
    %reshape3A = vector.shape_cast %get3A_8 : vector<1x256xf32> to vector<256x1xf32>
    %mul3A = vector.broadcast %reshape3A : vector<256x1xf32> to vector<256x256xf32>
    %mul3A_9 = arith.mulf %get3A_3, %mul3A : vector<256x256xf32>
    %add3A = arith.addf %get3A_3, %mul3A_9 : vector<256x256xf32>
    %get3A_10 = arith.constant 0 : index
    %get3A_11 = arith.constant 0 : index
    %get3A_12 = vector.load %arg4[%get3A_10, %get3A_11] : memref<256x1xf32, #tpu.memory_space<vmem>>, vector<256x1xf32>
    %dot_general3A = arith.constant dense<0.000000e+00> : vector<256x1xf32>
    %dot_general3A_13 = tpu.matmul %add3A, %get3A_12, %dot_general3A {dimension_numbers = #tpu.dot_dimension_numbers<[1], [0], [0], [1], [0, 0, 1, 1], [], []>, transpose_lhs_hint = false} : vector<256x256xf32>, vector<256x1xf32>, vector<256x1xf32> -> vector<256x1xf32>
    %squeeze3A = vector.shape_cast %dot_general3A_13 : vector<256x1xf32> to vector<256xf32>
    %broadcast_in_dim3A = vector.shape_cast %squeeze3A : vector<256xf32> to vector<1x1x256xf32>
    %swap3A = arith.constant 0 : index
    %swap3A_14 = arith.constant 0 : index
    %swap3A_15 = arith.constant 0 : index
    %swap3A_16 = vector.load %arg5[%swap3A, %swap3A_14, %swap3A_15] : memref<1x1x256xf32, #tpu.memory_space<vmem>>, vector<1x1x256xf32>
    tpu.vector_store %arg5[%swap3A, %swap3A_14, %swap3A_15], %broadcast_in_dim3A {strides = array<i32>} : memref<1x1x256xf32, #tpu.memory_space<vmem>>, vector<1x1x256xf32>,
    return
  }
  func.func @transform_0(%arg0: i32, %arg1: i32) -> (i32, i32, i32) {
    %c0_i32 = arith.constant 0 : i32
    %c0_i32_0 = arith.constant 0 : i32
    return %arg0, %arg1, %c0_i32 : i32, i32, i32
  }
  func.func @transform_1(%arg0: i32, %arg1: i32) -> (i32, i32, i32) {
    %mul3A = arith.constant 1 : i32
    %mul3A_0 = arith.muli %arg0, %mul3A : i32
    %add3A = arith.addi %mul3A_0, %arg1 : i32
    %c0_i32 = arith.constant 0 : i32
    %c0_i32_1 = arith.constant 0 : i32
    %c0_i32_2 = arith.constant 0 : i32
    return %add3A, %c0_i32, %c0_i32_1 : i32, i32, i32
  }
  func.func @transform_2(%arg0: i32, %arg1: i32) -> (i32, i32) {
    %c0_i32 = arith.constant 0 : i32
    %c0_i32_0 = arith.constant 0 : i32
    %c0_i32_1 = arith.constant 0 : i32
    return %c0_i32, %c0_i32_0 : i32, i32
  }
  func.func @transform_3(%arg0: i32, %arg1: i32) -> (i32, i32, i32) {
    %mul3A = arith.constant 1 : i32
    %mul3A_0 = arith.muli %arg0, %mul3A : i32
    %add3A = arith.addi %mul3A_0, %arg1 : i32
    %c0_i32 = arith.constant 0 : i32
    %c0_i32_1 = arith.constant 0 : i32
    %c0_i32_2 = arith.constant 0 : i32
    return %add3A, %c0_i32, %c0_i32_1 : i32, i32, i32
  }
}

module attributes {stable_mosaic.version = 14 : i64} {
  func.func @_score_body(%arg0: i32, %arg1: i32, %arg2: memref<1x1024x256xf32, #tpu.memory_space<vmem>>, %arg3: memref<1x1x1024xf32, #tpu.memory_space<vmem>>, %arg4: memref<256x1xf32, #tpu.memory_space<vmem>>, %arg5: memref<1x1x1024xf32, #tpu.memory_space<vmem>>) attributes {dimension_semantics = [#tpu.dimension_semantics<arbitrary>, #tpu.dimension_semantics<arbitrary>], iteration_bounds = array<i64: 4, 1>, scalar_prefetch = 0 : i64, scratch_operands = 0 : i64, tpu.core_type = #tpu.core_type<tc>, window_params = [{transform_indices = @transform_0, window_bounds = array<i64: 1, 1024, 256>}, {transform_indices = @transform_1, window_bounds = array<i64: 1, 1, 1024>}, {pipeline_mode = #tpu.pipeline_mode<synchronous>, transform_indices = @transform_2, window_bounds = array<i64: 256, 1>}, {transform_indices = @transform_3, window_bounds = array<i64: 1, 1, 1024>}]} {
    %get3A = arith.constant 0 : index
    %get3A_0 = arith.constant 0 : index
    %get3A_1 = arith.constant 0 : index
    %get3A_2 = vector.load %arg2[%get3A, %get3A_0, %get3A_1] : memref<1x1024x256xf32, #tpu.memory_space<vmem>>, vector<1x1024x256xf32>
    %get3A_3 = vector.shape_cast %get3A_2 : vector<1x1024x256xf32> to vector<1024x256xf32>
    %get3A_4 = arith.constant 0 : index
    %get3A_5 = arith.constant 0 : index
    %get3A_6 = arith.constant 0 : index
    %get3A_7 = vector.load %arg3[%get3A_4, %get3A_5, %get3A_6] : memref<1x1x1024xf32, #tpu.memory_space<vmem>>, vector<1x1x1024xf32>
    %get3A_8 = vector.shape_cast %get3A_7 : vector<1x1x1024xf32> to vector<1x1024xf32>
    %reshape3A = vector.shape_cast %get3A_8 : vector<1x1024xf32> to vector<1024x1xf32>
    %mul3A = vector.broadcast %reshape3A : vector<1024x1xf32> to vector<1024x256xf32>
    %mul3A_9 = arith.mulf %get3A_3, %mul3A : vector<1024x256xf32>
    %add3A = arith.addf %get3A_3, %mul3A_9 : vector<1024x256xf32>
    %get3A_10 = arith.constant 0 : index
    %get3A_11 = arith.constant 0 : index
    %get3A_12 = vector.load %arg4[%get3A_10, %get3A_11] : memref<256x1xf32, #tpu.memory_space<vmem>>, vector<256x1xf32>
    %dot_general3A = arith.constant dense<0.000000e+00> : vector<1024x1xf32>
    %dot_general3A_13 = tpu.matmul %add3A, %get3A_12, %dot_general3A {dimension_numbers = #tpu.dot_dimension_numbers<[1], [0], [0], [1], [0, 0, 1, 1], [], []>, transpose_lhs_hint = false} : vector<1024x256xf32>, vector<256x1xf32>, vector<1024x1xf32> -> vector<1024x1xf32>
    %squeeze3A = vector.shape_cast %dot_general3A_13 : vector<1024x1xf32> to vector<1024xf32>
    %broadcast_in_dim3A = vector.shape_cast %squeeze3A : vector<1024xf32> to vector<1x1x1024xf32>
    %swap3A = arith.constant 0 : index
    %swap3A_14 = arith.constant 0 : index
    %swap3A_15 = arith.constant 0 : index
    %swap3A_16 = vector.load %arg5[%swap3A, %swap3A_14, %swap3A_15] : memref<1x1x1024xf32, #tpu.memory_space<vmem>>, vector<1x1x1024xf32>
    tpu.vector_store %arg5[%swap3A, %swap3A_14, %swap3A_15], %broadcast_in_dim3A {strides = array<i32>} : memref<1x1x1024xf32, #tpu.memory_space<vmem>>, vector<1x1x1024xf32>,
    return
  }
  func.func @transform_0(%arg0: i32, %arg1: i32) -> (i32, i32, i32) {
    %c0_i32 = arith.constant 0 : i32
    %c0_i32_0 = arith.constant 0 : i32
    return %arg0, %arg1, %c0_i32 : i32, i32, i32
  }
  func.func @transform_1(%arg0: i32, %arg1: i32) -> (i32, i32, i32) {
    %mul3A = arith.constant 1 : i32
    %mul3A_0 = arith.muli %arg0, %mul3A : i32
    %add3A = arith.addi %mul3A_0, %arg1 : i32
    %c0_i32 = arith.constant 0 : i32
    %c0_i32_1 = arith.constant 0 : i32
    %c0_i32_2 = arith.constant 0 : i32
    return %add3A, %c0_i32, %c0_i32_1 : i32, i32, i32
  }
  func.func @transform_2(%arg0: i32, %arg1: i32) -> (i32, i32) {
    %c0_i32 = arith.constant 0 : i32
    %c0_i32_0 = arith.constant 0 : i32
    %c0_i32_1 = arith.constant 0 : i32
    return %c0_i32, %c0_i32_0 : i32, i32
  }
  func.func @transform_3(%arg0: i32, %arg1: i32) -> (i32, i32, i32) {
    %mul3A = arith.constant 1 : i32
    %mul3A_0 = arith.muli %arg0, %mul3A : i32
    %add3A = arith.addi %mul3A_0, %arg1 : i32
    %c0_i32 = arith.constant 0 : i32
    %c0_i32_1 = arith.constant 0 : i32
    %c0_i32_2 = arith.constant 0 : i32
    return %add3A, %c0_i32, %c0_i32_1 : i32, i32, i32
  }
}

module attributes {stable_mosaic.version = 14 : i64} {
  func.func @_score_body(%arg0: i32, %arg1: i32, %arg2: memref<1x2048x256xf32, #tpu.memory_space<vmem>>, %arg3: memref<1x1x2048xf32, #tpu.memory_space<vmem>>, %arg4: memref<256x1xf32, #tpu.memory_space<vmem>>, %arg5: memref<1x1x2048xf32, #tpu.memory_space<vmem>>) attributes {dimension_semantics = [#tpu.dimension_semantics<arbitrary>, #tpu.dimension_semantics<arbitrary>], iteration_bounds = array<i64: 4, 2>, scalar_prefetch = 0 : i64, scratch_operands = 0 : i64, tpu.core_type = #tpu.core_type<tc>, window_params = [{transform_indices = @transform_0, window_bounds = array<i64: 1, 2048, 256>}, {transform_indices = @transform_1, window_bounds = array<i64: 1, 1, 2048>}, {pipeline_mode = #tpu.pipeline_mode<synchronous>, transform_indices = @transform_2, window_bounds = array<i64: 256, 1>}, {transform_indices = @transform_3, window_bounds = array<i64: 1, 1, 2048>}]} {
    %get3A = arith.constant 0 : index
    %get3A_0 = arith.constant 0 : index
    %get3A_1 = arith.constant 0 : index
    %get3A_2 = vector.load %arg2[%get3A, %get3A_0, %get3A_1] : memref<1x2048x256xf32, #tpu.memory_space<vmem>>, vector<1x2048x256xf32>
    %get3A_3 = vector.shape_cast %get3A_2 : vector<1x2048x256xf32> to vector<2048x256xf32>
    %get3A_4 = arith.constant 0 : index
    %get3A_5 = arith.constant 0 : index
    %get3A_6 = arith.constant 0 : index
    %get3A_7 = vector.load %arg3[%get3A_4, %get3A_5, %get3A_6] : memref<1x1x2048xf32, #tpu.memory_space<vmem>>, vector<1x1x2048xf32>
    %get3A_8 = vector.shape_cast %get3A_7 : vector<1x1x2048xf32> to vector<1x2048xf32>
    %reshape3A = vector.shape_cast %get3A_8 : vector<1x2048xf32> to vector<2048x1xf32>
    %mul3A = vector.broadcast %reshape3A : vector<2048x1xf32> to vector<2048x256xf32>
    %mul3A_9 = arith.mulf %get3A_3, %mul3A : vector<2048x256xf32>
    %add3A = arith.addf %get3A_3, %mul3A_9 : vector<2048x256xf32>
    %get3A_10 = arith.constant 0 : index
    %get3A_11 = arith.constant 0 : index
    %get3A_12 = vector.load %arg4[%get3A_10, %get3A_11] : memref<256x1xf32, #tpu.memory_space<vmem>>, vector<256x1xf32>
    %dot_general3A = arith.constant dense<0.000000e+00> : vector<2048x1xf32>
    %dot_general3A_13 = tpu.matmul %add3A, %get3A_12, %dot_general3A {dimension_numbers = #tpu.dot_dimension_numbers<[1], [0], [0], [1], [0, 0, 1, 1], [], []>, transpose_lhs_hint = false} : vector<2048x256xf32>, vector<256x1xf32>, vector<2048x1xf32> -> vector<2048x1xf32>
    %squeeze3A = vector.shape_cast %dot_general3A_13 : vector<2048x1xf32> to vector<2048xf32>
    %broadcast_in_dim3A = vector.shape_cast %squeeze3A : vector<2048xf32> to vector<1x1x2048xf32>
    %swap3A = arith.constant 0 : index
    %swap3A_14 = arith.constant 0 : index
    %swap3A_15 = arith.constant 0 : index
    %swap3A_16 = vector.load %arg5[%swap3A, %swap3A_14, %swap3A_15] : memref<1x1x2048xf32, #tpu.memory_space<vmem>>, vector<1x1x2048xf32>
    tpu.vector_store %arg5[%swap3A, %swap3A_14, %swap3A_15], %broadcast_in_dim3A {strides = array<i32>} : memref<1x1x2048xf32, #tpu.memory_space<vmem>>, vector<1x1x2048xf32>,
    return
  }
  func.func @transform_0(%arg0: i32, %arg1: i32) -> (i32, i32, i32) {
    %c0_i32 = arith.constant 0 : i32
    %c0_i32_0 = arith.constant 0 : i32
    return %arg0, %arg1, %c0_i32 : i32, i32, i32
  }
  func.func @transform_1(%arg0: i32, %arg1: i32) -> (i32, i32, i32) {
    %mul3A = arith.constant 2 : i32
    %mul3A_0 = arith.muli %arg0, %mul3A : i32
    %add3A = arith.addi %mul3A_0, %arg1 : i32
    %c0_i32 = arith.constant 0 : i32
    %c0_i32_1 = arith.constant 0 : i32
    %c0_i32_2 = arith.constant 0 : i32
    return %add3A, %c0_i32, %c0_i32_1 : i32, i32, i32
  }
  func.func @transform_2(%arg0: i32, %arg1: i32) -> (i32, i32) {
    %c0_i32 = arith.constant 0 : i32
    %c0_i32_0 = arith.constant 0 : i32
    %c0_i32_1 = arith.constant 0 : i32
    return %c0_i32, %c0_i32_0 : i32, i32
  }
  func.func @transform_3(%arg0: i32, %arg1: i32) -> (i32, i32, i32) {
    %mul3A = arith.constant 2 : i32
    %mul3A_0 = arith.muli %arg0, %mul3A : i32
    %add3A = arith.addi %mul3A_0, %arg1 : i32
    %c0_i32 = arith.constant 0 : i32
    %c0_i32_1 = arith.constant 0 : i32
    %c0_i32_2 = arith.constant 0 : i32
    return %add3A, %c0_i32, %c0_i32_1 : i32, i32, i32
  }
}

module attributes {stable_mosaic.version = 14 : i64} {
  func.func @_score_body(%arg0: i32, %arg1: i32, %arg2: memref<1x2048x256xf32, #tpu.memory_space<vmem>>, %arg3: memref<1x1x2048xf32, #tpu.memory_space<vmem>>, %arg4: memref<256x1xf32, #tpu.memory_space<vmem>>, %arg5: memref<1x1x2048xf32, #tpu.memory_space<vmem>>) attributes {dimension_semantics = [#tpu.dimension_semantics<arbitrary>, #tpu.dimension_semantics<arbitrary>], iteration_bounds = array<i64: 4, 8>, scalar_prefetch = 0 : i64, scratch_operands = 0 : i64, tpu.core_type = #tpu.core_type<tc>, window_params = [{transform_indices = @transform_0, window_bounds = array<i64: 1, 2048, 256>}, {transform_indices = @transform_1, window_bounds = array<i64: 1, 1, 2048>}, {pipeline_mode = #tpu.pipeline_mode<synchronous>, transform_indices = @transform_2, window_bounds = array<i64: 256, 1>}, {transform_indices = @transform_3, window_bounds = array<i64: 1, 1, 2048>}]} {
    %get3A = arith.constant 0 : index
    %get3A_0 = arith.constant 0 : index
    %get3A_1 = arith.constant 0 : index
    %get3A_2 = vector.load %arg2[%get3A, %get3A_0, %get3A_1] : memref<1x2048x256xf32, #tpu.memory_space<vmem>>, vector<1x2048x256xf32>
    %get3A_3 = vector.shape_cast %get3A_2 : vector<1x2048x256xf32> to vector<2048x256xf32>
    %get3A_4 = arith.constant 0 : index
    %get3A_5 = arith.constant 0 : index
    %get3A_6 = arith.constant 0 : index
    %get3A_7 = vector.load %arg3[%get3A_4, %get3A_5, %get3A_6] : memref<1x1x2048xf32, #tpu.memory_space<vmem>>, vector<1x1x2048xf32>
    %get3A_8 = vector.shape_cast %get3A_7 : vector<1x1x2048xf32> to vector<1x2048xf32>
    %reshape3A = vector.shape_cast %get3A_8 : vector<1x2048xf32> to vector<2048x1xf32>
    %mul3A = vector.broadcast %reshape3A : vector<2048x1xf32> to vector<2048x256xf32>
    %mul3A_9 = arith.mulf %get3A_3, %mul3A : vector<2048x256xf32>
    %add3A = arith.addf %get3A_3, %mul3A_9 : vector<2048x256xf32>
    %get3A_10 = arith.constant 0 : index
    %get3A_11 = arith.constant 0 : index
    %get3A_12 = vector.load %arg4[%get3A_10, %get3A_11] : memref<256x1xf32, #tpu.memory_space<vmem>>, vector<256x1xf32>
    %dot_general3A = arith.constant dense<0.000000e+00> : vector<2048x1xf32>
    %dot_general3A_13 = tpu.matmul %add3A, %get3A_12, %dot_general3A {dimension_numbers = #tpu.dot_dimension_numbers<[1], [0], [0], [1], [0, 0, 1, 1], [], []>, transpose_lhs_hint = false} : vector<2048x256xf32>, vector<256x1xf32>, vector<2048x1xf32> -> vector<2048x1xf32>
    %squeeze3A = vector.shape_cast %dot_general3A_13 : vector<2048x1xf32> to vector<2048xf32>
    %broadcast_in_dim3A = vector.shape_cast %squeeze3A : vector<2048xf32> to vector<1x1x2048xf32>
    %swap3A = arith.constant 0 : index
    %swap3A_14 = arith.constant 0 : index
    %swap3A_15 = arith.constant 0 : index
    %swap3A_16 = vector.load %arg5[%swap3A, %swap3A_14, %swap3A_15] : memref<1x1x2048xf32, #tpu.memory_space<vmem>>, vector<1x1x2048xf32>
    tpu.vector_store %arg5[%swap3A, %swap3A_14, %swap3A_15], %broadcast_in_dim3A {strides = array<i32>} : memref<1x1x2048xf32, #tpu.memory_space<vmem>>, vector<1x1x2048xf32>,
    return
  }
  func.func @transform_0(%arg0: i32, %arg1: i32) -> (i32, i32, i32) {
    %c0_i32 = arith.constant 0 : i32
    %c0_i32_0 = arith.constant 0 : i32
    return %arg0, %arg1, %c0_i32 : i32, i32, i32
  }
  func.func @transform_1(%arg0: i32, %arg1: i32) -> (i32, i32, i32) {
    %mul3A = arith.constant 8 : i32
    %mul3A_0 = arith.muli %arg0, %mul3A : i32
    %add3A = arith.addi %mul3A_0, %arg1 : i32
    %c0_i32 = arith.constant 0 : i32
    %c0_i32_1 = arith.constant 0 : i32
    %c0_i32_2 = arith.constant 0 : i32
    return %add3A, %c0_i32, %c0_i32_1 : i32, i32, i32
  }
  func.func @transform_2(%arg0: i32, %arg1: i32) -> (i32, i32) {
    %c0_i32 = arith.constant 0 : i32
    %c0_i32_0 = arith.constant 0 : i32
    %c0_i32_1 = arith.constant 0 : i32
    return %c0_i32, %c0_i32_0 : i32, i32
  }
  func.func @transform_3(%arg0: i32, %arg1: i32) -> (i32, i32, i32) {
    %mul3A = arith.constant 8 : i32
    %mul3A_0 = arith.muli %arg0, %mul3A : i32
    %add3A = arith.addi %mul3A_0, %arg1 : i32
    %c0_i32 = arith.constant 0 : i32
    %c0_i32_1 = arith.constant 0 : i32
    %c0_i32_2 = arith.constant 0 : i32
    return %add3A, %c0_i32, %c0_i32_1 : i32, i32, i32
  }
}

</mosaic_0001>

<sc_bundles>
// kernel: gather_offload_async_start
scs
__scs_entry_jumppad:
0x0: {  	(pc) =	sbr.rel $0x88, $3  }
0x1: {  	(tag) =	ssettag $0x0;
	lr =	simm.s32 $0x1  }
0x2: {  	[smem:$0x3F9D] =	sst lr;
	_ =	strace $0xD0000000  }
0x3: {  	_ = 	snop  }
0x4: {  	_ = 	snop  }
0x5: {  	_ = 	snop  }
0x6: {  	_ = 	snop  }
0x7: {  	_ = 	snop  }
__scs_overlays_trampoline_lowered:
0x8: {  	[smem:$0x3FAC] =	sst s0  }
0x9: {  	[smem:$0x3FAD] =	sst s1  }
0xa: {  	[smem:$0x3FAE] =	sst s2  }
0xb: {  	[smem:$0x3FAF] =	sst s3  }
0xc: {  	[smem:$0x3FB0] =	sst s4  }
0xd: {  	[smem:$0x3FB1] =	sst s5  }
0xe: {  	[smem:$0x3FB2] =	sst s6  }
0xf: {  	[smem:$0x3FB3] =	sst s7  }
0x10: {  	[smem:$0x3FB4] =	sst s8  }
0x11: {  	[smem:$0x3FB5] =	sst s9;
	s0 =	simm.s32 @!p0 $0x0  }
0x12: {  	s1 =	sld [smem:$0x3F9B];
	s0 =	simm.s32 @p0 $0x1  }
0x13: {  	[smem:$0x3FB6] =	sst s0;
	s0 =	simm.s32 @!p1 $0x0  }
0x14: {  	s2 =	sld [smem:$0x3F9A];
	s0 =	simm.s32 @p1 $0x1  }
0x15: {  	[smem:$0x3FB7] =	sst s0;
	s0 =	simm.s32 @!p2 $0x0  }
0x16: {  	s3 =	sld [smem:$0x3FDB];
	s0 =	simm.s32 @p2 $0x1  }
0x17: {  	s4 =	simm.s32 $0x1BF5;
	[smem:$0x3FB9] =	sst s0  }
0x18: {  	s0 =	sld [smem:$0x3F9C];
	_ =	swait.ge [sflag:s4], $0x0  }
0x19: {  	s7 =	sld [smem:$0x3F9D]  }
0x1a: {  	s8 =	sadd.s32 $0xFFFFE003, lr  }
0x1b: {  	s9 =	sadd.s32 $0xFFFFFEF7, lr;
	s5 =	simm.s32 $0xFFFFFFFF;
	p2 =	slt.u32 s8, $0xFFFFF086  }
0x1c: {  	p1 =	slt.u32 s9, $0xF7A;
	s5 =	simm.s32 @!p2 $0x0  }
0x1d: {  	s5 =	simm.s32 @p1 $0x1;
	p0 =	seq.s32 s7, s2  }
0x1e: {  	s7 =	smul.u32 @!p0 $0xF7A, s2;
	p2 =	seq.s32 @!p0 s5, $0x0  }
0x1f: {  	s9 =	smul.u32 $0xF7A, s1;
	s8 =	simm.s32 @!p0 $0x1BF5;
	p2 =	por !p2, p0  }
0x20: {  	[sflag:s8] =	ssyncset.s32 @!p0 $0xFFFFF086;
	s6 =	sadd.s32 @!p0 s3, s7;
	s7 =	simm.s32 @!p0 $0x108  }
0x21: {  	s3 =	sadd.s32 s3, s9;
	s6 =	sadd.s32 @!p0 $0x88, s6;
	s7 =	simm.s32 @p2 $0x1082  }
0x22: {  	[simem:s7], [sflag:s8] =	dma.local @!p0 [hbm:s6], $0xF7A  }
0x23: {  	s9 =	sor.u32 $0xD0000000, s2;
	s6 =	simm.s32 $0x108;
	_ =	swait.ge @!p0 [sflag:s8], $0x0  }
0x24: {  	s3 =	sadd.s32 $0x88, s3;
	s6 =	simm.s32 @!p1 $0x1082;
	[sflag:s4] =	ssyncset.s32 $0xFFFFF086  }
0x25: {  	[simem:s6], [sflag:s4] =	dma.local [hbm:s3], $0xF7A  }
0x26: {  	[smem:$0x3F9D] =	sst s1;
	(tag) =	ssettag s2;
	_ =	strace s9  }
0x27: {  	s1 =	sld [smem:$0x3FAD]  }
0x28: {  	s2 =	sld [smem:$0x3FAE]  }
0x29: {  	s4 =	sld [smem:$0x3FB0]  }
0x2a: {  	p0 =	seq.s32 s5, $0x0;
	s5 =	sld [smem:$0x3FB1]  }
0x2b: {  	s6 =	sld [smem:$0x3FB2]  }
0x2c: {  	s7 =	sld [smem:$0x3FB3]  }
0x2d: {  	s3 =	simm.s32 $0x108;
	s8 =	sld [smem:$0x3FB4]  }
0x2e: {  	s3 =	simm.s32 @!p0 $0x1082;
	s9 =	sld [smem:$0x3FB5]  }
0x2f: {  	lr =	sadd.s32 s0, s3;
	s0 =	sld [smem:$0x3FAC]  }
0x30: {  	s3 =	sld [smem:$0x3FAF]  }
0x31: {  	[smem:$0x3FB8] =	sst s10  }
0x32: {  	s10 =	sld [smem:$0x3FB6];
	_ =	sdelay $0x3  }
0x33: {  	p0 =	seq.s32 s10, $0x1;
	s10 =	sld [smem:$0x3FB8];
	_ =	sdelay $0x3  }
0x34: {  	[smem:$0x3FB8] =	sst s10  }
0x35: {  	s10 =	sld [smem:$0x3FB7];
	_ =	sdelay $0x3  }
0x36: {  	p1 =	seq.s32 s10, $0x1;
	s10 =	sld [smem:$0x3FB8];
	_ =	sdelay $0x3  }
0x37: {  	[smem:$0x3FB8] =	sst s10  }
0x38: {  	s10 =	sld [smem:$0x3FB9]  }
0x39: {  	_ = 	snop;
	(pc) =	sbr.ind lr, $3  }
0x3a: {  	_ = 	snop  }
0x3b: {  	_ = 	snop  }
0x3c: {  	p2 =	seq.s32 s10, $0x1;
	s10 =	sld [smem:$0x3FB8]  }
0x3d: {  	_ =	shalt  }
0x3e: {  	_ =	shalt  }
0x3f: {  	_ =	shalt  }
0x40: {  	_ =	shalt  }
0x41: {  	_ =	shalt  }
0x42: {  	_ =	shalt  }
0x43: {  	_ =	shalt  }
0x44: {  	_ =	shalt  }
0x45: {  	_ =	shalt  }
0x46: {  	_ =	shalt  }
0x47: {  	_ =	shalt  }
0x48: {  	_ =	shalt  }
0x49: {  	_ =	shalt  }
0x4a: {  	_ =	shalt  }
0x4b: {  	_ =	shalt  }
0x4c: {  	_ =	shalt  }
0x4d: {  	_ =	shalt  }
0x4e: {  	_ =	shalt  }
0x4f: {  	_ =	shalt  }
0x50: {  	_ =	shalt  }
0x51: {  	_ =	shalt  }
0x52: {  	_ =	shalt  }
0x53: {  	_ =	shalt  }
0x54: {  	_ =	shalt  }
0x55: {  	_ =	shalt  }
0x56: {  	_ =	shalt  }
0x57: {  	_ =	shalt  }
0x58: {  	_ =	shalt  }
0x59: {  	_ =	shalt  }
0x5a: {  	_ =	shalt  }
0x5b: {  	_ =	shalt  }
0x5c: {  	_ =	shalt  }
0x5d: {  	_ =	shalt  }
0x5e: {  	_ =	shalt  }
0x5f: {  	_ =	shalt  }
0x60: {  	_ =	shalt  }
0x61: {  	_ =	shalt  }
0x62: {  	_ =	shalt  }
0x63: {  	_ =	shalt  }
0x64: {  	_ =	shalt  }
0x65: {  	_ =	shalt  }
0x66: {  	_ =	shalt  }
0x67: {  	_ =	shalt  }
0x68: {  	_ =	shalt  }
0x69: {  	_ =	shalt  }
0x6a: {  	_ =	shalt  }
0x6b: {  	_ =	shalt  }
0x6c: {  	_ =	shalt  }
0x6d: {  	_ =	shalt  }
0x6e: {  	_ =	shalt  }
0x6f: {  	_ =	shalt  }
0x70: {  	_ =	shalt  }
0x71: {  	_ =	shalt  }
0x72: {  	_ =	shalt  }
0x73: {  	_ =	shalt  }
0x74: {  	_ =	shalt  }
0x75: {  	_ =	shalt  }
0x76: {  	_ =	shalt  }
0x77: {  	_ =	shalt  }
0x78: {  	_ =	shalt  }
0x79: {  	_ =	shalt  }
0x7a: {  	_ =	shalt  }
0x7b: {  	_ =	shalt  }
0x7c: {  	_ =	shalt  }
0x7d: {  	_ =	shalt  }
0x7e: {  	_ =	shalt  }
0x7f: {  	_ =	shalt  }
0x80: {  	_ =	shalt  }
0x81: {  	_ =	shalt  }
0x82: {  	_ =	shalt  }
0x83: {  	_ =	shalt  }
0x84: {  	_ =	shalt  }
0x85: {  	_ =	shalt  }
0x86: {  	_ =	shalt  }
0x87: {  	_ =	shalt  }
.Lfunc_end0:
.L_simem_size_0:
called_computation_lowered:
.L_overlay_start_0:
0x88: {  	s2 =	sld [smem:$0x3FD9]  }
0x89: {  	s3 =	sld [smem:$0x3FFE];
	_ =	sdelay $0x1  }
0x8a: {  	s1 =	srdreg.scid  }
0x8b: {  	s0 =	sand.u32 $0x1, s1  }
0x8c: {  	s14 =	sshll.u32 s0, $0xA;
	s2 =	sadd.s32 s3, s2  }
0x8d: {  	s2 =	sadd.s32 s2, s14  }
0x8e: {  	[smem:$0x3FC4] =	sst s2  }
0x8f: {  	_ = 	snop  }
0x90: {  	s2 =	sld [smem:$0x3FD0];
	_ =	sdelay $0x2  }
0x91: {  	s15 =	simm.s32 $0xA;
	s4 =	simm.s32 $0x10  }
0x92: {  	[smem:s4], [sflag:s15] =	dma.local [hbm:s2], $0x1  }
0x93: {  	_ =	swait.eq [sflag:s15], $0x1  }
0x94: {  	[sflag:s15] =	ssyncset.done $0x0  }
0x95: {  	[sflag:s15] =	ssyncadd.s32 $0xFFFFFFFF  }
0x96: {  	s16 =	sld [smem:$0x10];
	(tm) =	ssettm $0x1  }
0x97: {  	s17 =	sld [smem:$0x3FFB];
	_ =	sdelay $0x3  }
0x98: {  	_ =	strace s17  }
0x99: {  	s3 =	sld [smem:$0x3FFC];
	_ =	sdelay $0x3  }
0x9a: {  	_ =	strace s3  }
0x9b: {  	s3 =	sld [smem:$0x3FFD];
	_ =	sdelay $0x3  }
0x9c: {  	_ =	strace s3  }
0x9d: {  	_ =	strace $0x8FFFFFFF  }
0x9e: {  	s18 =	sld [smem:$0x3FDB];
	_ =	sdelay $0x1  }
0x9f: {  	s19 =	simm.s32 $_scs_section_size  }
0xa0: {  	s5 =	simm.s32 $_size__tile_overlayer_lowered;
	s6 =	simm.s32 $_tile_overlayer_lowered  }
0xa1: {  	s22 =	simm.s32 $0x1BFF;
	s21 =	sshll.u32 s6, $0x1;
	s3 =	sadd.s32 s19, s18  }
0xa2: {  	s7 =	simm.s32 $0x0;
	s20 =	sshll.u32 s5, $0x1;
	s5 =	sadd.s32 s21, s3  }
0xa3: {  	[timem:s7], [sflag:s22] =	dma.local [hbm:s5], s20  }
0xa4: {  	_ =	swait.ge [sflag:s22], s20  }
0xa5: {  	s4 =	ssub.s32 $0x0, s20;
	[sflag:s22] =	ssyncset.done $0x0  }
0xa6: {  	[sflag:s22] =	ssyncadd.s32 s4;
	_ =	sdelay $0x1  }
0xa7: {  	s23 =	simm.s32 $0x1B8B  }
0xa8: {  	_ =	swait.ge [sflag:s23], $0x1  }
0xa9: {  	[sflag:s23] =	ssyncset.done $0x0  }
0xaa: {  	s25 =	simm.s32 $0x1B8E;
	s24 =	sld [smem:$0x3FFE];
	[sflag:s23] =	ssyncadd.s32 $0xFFFFFFFF  }
0xab: {  	s26 =	simm.s32 $execute0_lowered;
	[smem:$0x3FD2] =	sst s25  }
0xac: {  	s5 =	sshll.u32 s26, $0x1;
	_ =	strace $0x80000046;
	[dreg:$0x1] =	wrdreg $0xFFFFFFFF  }
0xad: {  	s28 =	simm.s32 $_size_execute0_lowered;
	s3 =	sadd.s32 s3, s5;
	[dreg:$0x0] =	wrdreg $0x0  }
0xae: {  	s5 =	sshll.u32 s28, $0x1;
	[dreg:$0x2] =	wrdreg s3  }
0xaf: {  	[dreg:$0x3] =	wrdreg s5  }
0xb0: {  	[dreg:$0x4] =	wrdreg $0xC0  }
0xb1: {  	_ =	task [dreg:s7], $0x5FFFF  }
0xb2: {  	[dreg:$0x1] =	wrdreg $0xFFFFFFFF  }
0xb3: {  	[dreg:$0x0] =	wrdreg $0x60  }
0xb4: {  	[dreg:$0x2] =	wrdreg s16  }
0xb5: {  	[dreg:$0x3] =	wrdreg s24  }
0xb6: {  	[dreg:$0x4] =	wrdreg $0x9  }
0xb7: {  	_ =	task.clear_ibuf [dreg:s7], $0x5FFFF;
	_ =	strace $0x90000046  }
0xb8: {  	s29 =	simm.s32 $0x9;
	_ =	strace $0x80000048  }
0xb9: {  	_ =	swait.ge [sflag:s29], $0x1  }
0xba: {  	[sflag:s29] =	ssyncadd.s32 $0xFFFFFFFF  }
0xbb: {  	_ =	strace $0x90000048  }
0xbc: {  	_ =	sfence  }
0xbd: {  	s30 =	sld [smem:$0x0];
	_ =	sdelay $0x2  }
0xbe: {  	s31 =	sshll.u32 s1, $0xD;
	s1 =	sshrl.u32 s1, $0x2  }
0xbf: {  	s3 =	sand.u32 $0x4000, s31;
	s1 =	sadd.s32 s1, s30  }
0xc0: {  	s0 =	sor.u32 s3, s0;
	s1 =	sshll.u32 s1, $0x11  }
0xc1: {  	s0 =	sor.u32 s1, s0  }
0xc2: {  	s0 =	sadd.s32 $0x8F2B, s0  }
0xc3: {  	[sflag:s0] =	ssyncadd.remote.s32 $0x1  }
0xc4: {  	_ =	sfence.sel $0xFFFF  }
0xc5: {  	[dreg:$0x0] =	wrdreg $0xFFFFFFFF;
	(pc) =	sbr.abs _section_cstart, $3  }
0xc6: {  	[dreg:$0x1] =	wrdreg $0xFFFFFFFF  }
0xc7: {  	_ =	task.clear_ibuf [dreg:s7], $0x2FFFF;
	_ =	strace $0x9FFFFFFF  }
0xc8: {  	(tm) =	ssettm $0x7FFFFFFF  }
0xc9: {  	_ =	shalt  }
tec
execute0_lowered:
.L_overlay_start_1:
0x0: {  	(tag) =	ssettag $0x1  }
0x1: {  	s2 =	rddreg [dreg:$0x0]  }
0x2: {  	s3 =	rddreg [dreg:$0x1];
	s1 =	stileid.u32  }
0x3: {  	s4 =	srdreg.scid;
	s0 =	rddreg [dreg:$0x2];
	_ =	strace $0x80000047  }
0x4: {  	s7 =	simm.s32 $0x1;
	s8 =	simm.s32 $0x1;
	s9 =	simm.s32 $0x3  }
0x5: {  	s10 =	simm.s32 $0x0;
	s5 =	sand.u32 $0x1, s4;
	s6 =	sshll.u32 s1, $0x1  }
0x6: {  	s13 =	simm.s32 $0x0;
	s4 =	simm.s32 $0x1;
	s5 =	sor.u32 s6, s5  }
.Ltmp0:
0x7: {  	[sflag:s4] =	ssyncpa.u1 $0x0;
	p0 =	slt.u32 s5, $0x19;
	(pc) =	sbr.rel .LBB2_1-.Ltmp0, $4  }
0x8: {  	s6 =	simm.s32 $0x2;
	s7 =	simm.s32 @!p0 $0x0;
	p0 =	sne.s32 s5, $0x18  }
0x9: {  	[sflag:s6] =	ssyncpa.u1 $0x0;
	s5 =	smul.u32 $0x5E0, s5;
	s8 =	simm.s32 @!p0 $0x0  }
0xa: {  	s12 =	simm.s32 $0x0;
	[sflag:s9] =	ssyncpa.u1 $0x0;
	s7 =	sadd.s32 s8, s7  }
0xb: {  	vm0 =	vmmov $0xffff;
	s8 =	sadd.s32 $0x2A00, s3;
	s11 =	smov.u32 s5;
	s9 =	sadd.s32 $0x1, s7  }
.LBB2_4:
0xc: {  	vm1 =	veq.s32 v4, $0x80000000;
	v56 =	vand.u32 $0x3, v4;
	v6 =	vand.u32 $0x7FFF, v6  }
0xd: {  	v2 =	vor.u32 v2, v5;
	v59 =	vshrl.u32 v1, $0x2;
	v60 =	vand.u32 $0x3, v1  }
0xe: {  	v4 =	vsel vm1, $0xFFFFFFFF, v56;
	v6 =	vsel vm1, $0xFFFFFFFF, v6;
	v2 =	vor.u32 v3, v2  }
0xf: {  	vm1 =	veq.s32 v1, $0x80000000;
	v5 =	vand.u32 $0x7FFF, v59;
	v7 =	vshrl.u32 v4, $0x2  }
0x10: {  	v57 =	vshll.u32 v6, $0x2;
	v4 =	vshll.u32 v4, $0x7;
	v1 =	vsel vm1, $0xFFFFFFFF, v60  }
0x11: {  	v5 =	vsel vm1, $0xFFFFFFFF, v5;
	v6 =	vand.u32 $0x7F, v6;
	v7 =	vmul.u32 $0x14A00, v7  }
0x12: {  	v58 =	vand.u32 $0xFFFFFE00, v57;
	v4 =	vand.u32 $0x180, v4;
	v61 =	vshrl.u32 v1, $0x2  }
0x13: {  	v62 =	vshll.u32 v5, $0x2;
	v3 =	vadd.s32 v7, v58;
	v7 =	vmul.u32 $0x14A00, v61  }
0x14: {  	v1 =	vshll.u32 v1, $0x7;
	v3 =	vor.u32 v4, v3;
	v4 =	vand.u32 $0xFFFFFE00, v62  }
0x15: {  	v1 =	vand.u32 $0x180, v1;
	v3 =	vor.u32 v6, v3;
	v4 =	vadd.s32 v7, v4  }
0x16: {  	[tilespmem:s16], [sflag:$0x1] =	stream.indirect_vreg.gather [hbm4b:s2+s10], $0x1, v0, vm0, $0x4038;
	v63 =	vand.u32 $0x7F, v5;
	v1 =	vor.u32 v1, v4;
	[tilespmem:$0x1780] =	vst v63  }
0x17: {  	s15 =	sadd.s32 $0x10, s15;
	(ifvalue) =	ssetifvalue $0x7FFFFFFF;
	v0 =	vor.u32 v63, v1  }
0x18: {  	[tilespmem:s15], [sflag:$0x1] =	stream.indirect_vreg.gather [hbm4b:s2+s10], $0x1, v2, vm0, $0x4038;
	[tilespmem:$0x1780] =	vst v63  }
0x19: {  	s15 =	sadd.s32 $0x10, s15;
	(ifvalue) =	ssetifvalue $0x7FFFFFFF  }
0x1a: {  	[tilespmem:s15], [sflag:$0x1] =	stream.indirect_vreg.gather [hbm4b:s2+s10], $0x1, v3, vm0, $0x4038;
	[tilespmem:$0x1780] =	vst v63  }
0x1b: {  	s15 =	sadd.s32 $0x10, s15;
	(ifvalue) =	ssetifvalue $0x7FFFFFFF  }
0x1c: {  	[tilespmem:s15], [sflag:$0x1] =	stream.indirect_vreg.gather [hbm4b:s2+s10], $0x1, v0, vm0, $0x4038;
	[tilespmem:$0x1780] =	vst v63  }
0x1d: {  	_ =	swait.ge [sflag:s4], $0x5E0  }
0x1e: {  	s30 =	sshrl.u32 s13, $0x3;
	[sflag:s4] =	ssyncset.done $0x0  }
0x1f: {  	s31 =	sand.u32 $0x7, s13;
	s15 =	sadd.s32 s8, s30;
	[sflag:s4] =	ssyncadd.s32 $0xFFFFFA20  }
0x20: {  	[hbm4b:s15+s31] =	stream.linear.scatter [tilespmem:s14], [sflag:$0x3], $0x5E0, $0x38;
	[tilespmem:$0x1780] =	vst v63  }
.LBB2_5:
0x21: {  	s15 =	sadd.s32 $0xBC00, s11  }
0x22: {  	p1 =	sgt.s32 s15, $0x148FF  }
0x23: {  	s15 =	smov.u32 @p1 s5;
	p1 =	sne.s32 s12, s9  }
.Ltmp1:
0x24: {  	p0 =	slt.u32 s12, $0x2;
	(pc) =	sbr.rel @!p1 .LBB2_6-.Ltmp1, $4  }
0x25: {  	s14 =	simm.s32 @!p0 $0x3  }
0x26: {  	_ =	swait.ge @!p0 [sflag:s14], $0x5E0  }
0x27: {  	s16 =	sadd.s32 $0x1, s12;
	s13 =	smov.u32 s11;
	[sflag:s14] =	ssyncset.done @!p0 $0x0  }
0x28: {  	s12 =	smov.u32 s16;
	s11 =	smov.u32 s15;
	[sflag:s14] =	ssyncadd.s32 @!p0 $0xFFFFFA20  }
.LBB2_1:
0x29: {  	p0 =	sge.u32 s12, s7  }
0x2a: {  	s14 =	sxor.u32 @!p0 $0x1, s12  }
0x2b: {  	s14 =	smul.u32 @!p0 $0x1780, s14  }
0x2c: {  	s31 =	sadd.s32 $0xFFFFFFFF, s12;
	s15 =	sshrl.u32 @!p0 s11, $0x3  }
0x2d: {  	s16 =	sand.u32 @!p0 $0x7, s11;
	s15 =	sadd.s32 @!p0 s3, s15;
	s14 =	sshra.s32 @!p0 s14, $0x2  }
0x2e: {  	[tilespmem:s14], [sflag:$0x2] =	stream.linear.gather @!p0 [hbm4b:s15+s16], $0x5E0, $0x38;
	[tilespmem:$0x1780] =	vst v63  }
0x2f: {  	p0 =	sge.u32 s31, s7  }
.Ltmp2:
0x30: {  	_ = 	snop;
	(pc) =	sbr.rel @p0 .LBB2_5-.Ltmp2, $1  }
0x31: {  	_ =	sdelay $0x3  }
0x32: {  	s14 =	sand.u32 $0x1, s12  }
0x33: {  	_ =	swait.ge [sflag:s6], $0x5E0;
	p0 =	seq.s32 s14, $0x1;
	s14 =	simm.s32 $0x5E0  }
0x34: {  	[sflag:s6] =	ssyncset.done $0x0;
	s14 =	simm.s32 @!p0 $0x0  }
0x35: {  	[sflag:s6] =	ssyncadd.s32 $0xFFFFFA20;
	(ifvalue) =	ssetifvalue $0x7FFFFFFF;
	v0 =	vld.msk [tilespmem:s14+$0x0 ss:$0x1], $0xffff  }
0x36: {  	s15 =	sadd.s32 $0x10, s14  }
0x37: {  	v1 =	vld.msk [tilespmem:s15+$0x0 ss:$0x1], $0xffff;
	_ =	sdelay $0x2  }
0x38: {  	v2 =	vshrl.u32 v0, $0x2  }
0x39: {  	vm1 =	veq.s32 v0, $0x80000000;
	v0 =	vand.u32 $0x3, v0;
	v2 =	vand.u32 $0x7FFF, v2  }
0x3a: {  	v0 =	vsel vm1, $0xFFFFFFFF, v0;
	v6 =	vshrl.u32 v1, $0x2;
	v2 =	vsel vm1, $0xFFFFFFFF, v2  }
0x3b: {  	v3 =	vshrl.u32 v0, $0x2;
	v0 =	vshll.u32 v0, $0x7;
	vm1 =	veq.s32 v1, $0x80000000  }
0x3c: {  	s15 =	sadd.s32 $0x10, s15;
	v1 =	vand.u32 $0x3, v1;
	v4 =	vshll.u32 v2, $0x2;
	v3 =	vmul.u32 $0x14A00, v3  }
0x3d: {  	v0 =	vand.u32 $0x180, v0;
	v7 =	vand.u32 $0x7F, v2;
	v5 =	vand.u32 $0xFFFFFE00, v4;
	v4 =	vld.msk [tilespmem:s15+$0x0 ss:$0x1], $0xffff  }
0x3e: {  	v1 =	vsel vm1, $0xFFFFFFFF, v1;
	v2 =	vadd.s32 v3, v5;
	v3 =	vand.u32 $0x7FFF, v6  }
0x3f: {  	v3 =	vsel vm1, $0xFFFFFFFF, v3;
	v0 =	vor.u32 v0, v2;
	v2 =	vshrl.u32 v1, $0x2  }
0x40: {  	v1 =	vshll.u32 v1, $0x7;
	v5 =	vshll.u32 v3, $0x2;
	v8 =	vmul.u32 $0x14A00, v2  }
0x41: {  	s18 =	simm.s32 $0x30;
	s14 =	sadd.s32 $0xBC0, s14;
	s17 =	sadd.s32 $0x10, s15;
	v2 =	vand.u32 $0x180, v1;
	v0 =	vor.u32 v7, v0;
	v5 =	vand.u32 $0xFFFFFE00, v5  }
0x42: {  	s16 =	smov.u32 s14;
	s15 =	smov.u32 s14;
	v1 =	vld.msk [tilespmem:s17+$0x0 ss:$0x1], $0xffff;
	v3 =	vand.u32 $0x7F, v3;
	(ifvalue) =	ssetifvalue $0x7FFFFFFF;
	v6 =	vshrl.u32 v4, $0x2;
	v5 =	vadd.s32 v8, v5  }
.LBB2_3:
0x43: {  	s18 =	sadd.s32 $0x10, s18  }
0x44: {  	vm1 =	veq.s32 v4, $0x80000000;
	v4 =	vand.u32 $0x3, v4;
	v6 =	vand.u32 $0x7FFF, v6;
	s15 =	sadd.s32 $0x10, s15;
	p0 =	slt.u32 s18, $0x5D0  }
.Ltmp3:
0x45: {  	v5 =	vor.u32 v2, v5;
	v4 =	vsel vm1, $0xFFFFFFFF, v4;
	v7 =	vsel vm1, $0xFFFFFFFF, v6;
	(pc) =	sbr.rel @p0 .LBB2_3-.Ltmp3, $4  }
0x46: {  	v2 =	vshrl.u32 v4, $0x2;
	v6 =	vshll.u32 v7, $0x2;
	v4 =	vshll.u32 v4, $0x7;
	[tilespmem:s16], [sflag:$0x1] =	stream.indirect_vreg.gather [hbm4b:s2+s10], $0x1, v0, vm0, $0x4038;
	[tilespmem:$0x1780] =	vst v63  }
0x47: {  	v0 =	vor.u32 v3, v5;
	s16 =	smov.u32 s15;
	v8 =	vmul.u32 $0x14A00, v2;
	v2 =	vand.u32 $0x180, v4  }
0x48: {  	s17 =	sadd.s32 $0x10, s17;
	v9 =	vand.u32 $0xFFFFFE00, v6  }
0x49: {  	v3 =	vand.u32 $0x7F, v7;
	v6 =	vshrl.u32 v1, $0x2;
	v5 =	vadd.s32 v8, v9;
	(ifvalue) =	ssetifvalue $0x7FFFFFFF;
	v4 =	vmovc v1;
	v1 =	vld.msk [tilespmem:s17+$0x0 ss:$0x1], $0xffff  }
.Ltmp4:
0x4a: {  	_ = 	snop;
	(pc) =	sbr.rel .LBB2_4-.Ltmp4, $1  }
0x4b: {  	_ =	sdelay $0x3  }
.LBB2_6:
0x4c: {  	_ =	sfence.sel $0x180000  }
0x4d: {  	s2 =	simm.s32 $0x2;
	[bflag:$0x0] =	sbarrier.arrive $0xFFFF  }
0x4e: {  	s30 =	simm.s32 $0x3;
	[sflag:s2] =	ssyncpa.u1 $0x1  }
0x4f: {  	s31 =	simm.s32 $0x1;
	[sflag:s30] =	ssyncpa.u1 $0x1  }
0x50: {  	[sflag:s31] =	ssyncpa.u1 $0x1  }
0x51: {  	p0 =	sne.s32 s1, $0x0;
	_ =	strace $0x90000047  }
0x52: {  	s0 =	sadd.s32 @!p0 $0x100000, s0;
	[bflag:$0x2] =	sbarrier.arrive $0xFFFF  }
0x53: {  	[sflag:s0] =	ssyncadd.tile.s32 @!p0 $0x1;
	_ =	shalt  }
.Lfunc_end2:
_tile_overlayer_lowered:
.L_overlay_start_2:
0x54: {  	(tag) =	ssettag $0x2  }
0x55: {  	s0 =	rddreg [dreg:$0x0];
	s2 =	stileid.u32  }
0x56: {  	s1 =	rddreg [dreg:$0x1];
	p0 =	sne.s32 s2, $0x0  }
0x57: {  	s3 =	rddreg [dreg:$0x2];
	[bflag:$0x3] =	sbarrier.arrive $0xFFFF;
	s2 =	simm.s32 @!p0 $0x1C01  }
0x58: {  	[timem:s3], [sflag:s2] =	dma.local @!p0 [hbm:s0], s1  }
0x59: {  	s0 =	simm.s32 @!p0 $0x1  }
0x5a: {  	_ =	swait.ge @!p0 [sflag:s0], s1  }
0x5b: {  	s1 =	ssub.s32 @!p0 $0x0, s1;
	[sflag:s0] =	ssyncset.done @!p0 $0x0  }
0x5c: {  	[sflag:s0] =	ssyncadd.s32 @!p0 s1  }
0x5d: {  	[bflag:$0x3] =	sbarrier.arrive $0xFFFF  }
0x5e: {  	_ =	shalt  }

</sc_bundles>
